<compile_context>
chip_gen: v7x
topology: tpu7x:2x2x1
jax: 0.10.2.dev20260603
libtpu: 0.0.44.dev20260713+nightly
codegen_flags: <defaults>
</compile_context>

<pallas_src>
import functools

import jax
import jax.numpy as jnp
from jax import lax
from jax.experimental import pallas as pl
from jax.experimental.pallas import tpu as pltpu
from jax.experimental.pallas import tpu_sc as plsc

BATCH = 16384
DIM = 4096
NC = 2
NS = 16
NW = NC * NS
ROWS_PER_W = BATCH // NW
RB = 4
NBUF = 4
NBLK = ROWS_PER_W // RB
BLK_ELEMS = RB * DIM


def _sc_body(x_hbm, perm_hbm, out_hbm, perm_v, in_v, out_v, *sems):
    in_sems = sems[:NBUF]
    out_sems = sems[NBUF:]
    wid = lax.axis_index("s") * NC + lax.axis_index("c")
    elem0 = wid * (ROWS_PER_W * DIM)

    pltpu.sync_copy(perm_hbm, perm_v)

    for b in range(NBUF):
        pltpu.async_copy(x_hbm.at[pl.ds(elem0 + b * BLK_ELEMS, BLK_ELEMS)],
                         in_v.at[pl.ds(b * BLK_ELEMS, BLK_ELEMS)],
                         in_sems[b])

    def outer(gg, carry):
        for b in range(NBUF):
            g = gg * NBUF + b
            estart = elem0 + g * BLK_ELEMS
            pltpu.make_async_copy(
                x_hbm.at[pl.ds(estart, BLK_ELEMS)],
                in_v.at[pl.ds(b * BLK_ELEMS, BLK_ELEMS)],
                in_sems[b]).wait()

            @pl.when(gg > 0)
            def _():
                pltpu.make_async_copy(
                    out_v.at[pl.ds(b * BLK_ELEMS, BLK_ELEMS)],
                    out_hbm.at[pl.ds(elem0, BLK_ELEMS)],
                    out_sems[b]).wait()

            pltpu.async_copy(in_v.at[pl.ds(b * BLK_ELEMS, BLK_ELEMS)],
                             out_hbm.at[pl.ds(estart, BLK_ELEMS)],
                             out_sems[b])

            @pl.when(g + NBUF < NBLK)
            def _():
                pltpu.async_copy(
                    x_hbm.at[pl.ds(estart + NBUF * BLK_ELEMS, BLK_ELEMS)],
                    in_v.at[pl.ds(b * BLK_ELEMS, BLK_ELEMS)],
                    in_sems[b])
        return carry

    lax.fori_loop(0, NBLK // NBUF, outer, 0)

    for b in range(NBUF):
        pltpu.make_async_copy(out_v.at[pl.ds(b * BLK_ELEMS, BLK_ELEMS)],
                              out_hbm.at[pl.ds(elem0, BLK_ELEMS)],
                              out_sems[b]).wait()


@jax.jit
def _sc_permute(x, perm32):
    mesh = plsc.VectorSubcoreMesh(core_axis_name="c", subcore_axis_name="s")
    k = functools.partial(
        pl.kernel,
        mesh=mesh,
        compiler_params=pltpu.CompilerParams(needs_layout_passes=False),
        out_type=jax.ShapeDtypeStruct((BATCH * DIM,), jnp.float32),
        scratch_types=[
            pltpu.VMEM((DIM,), jnp.int32),
            pltpu.VMEM((NBUF * BLK_ELEMS,), jnp.float32),
            pltpu.VMEM((NBUF * BLK_ELEMS,), jnp.float32),
        ] + [pltpu.SemaphoreType.DMA for _ in range(2 * NBUF)],
    )(_sc_body)
    out_flat = k(x.reshape(BATCH * DIM), perm32)
    return out_flat.reshape(BATCH, DIM)


def kernel(x, perm):
    return _sc_permute(x, perm.astype(jnp.int32))

# --- scband reference (transcript-rebuilt; emitter-appended) ---
"""Pipeline reference for scband-random-permutation-41738492183137 (READ-ONLY COPY).

The authoritative reference and input builder live on the scoring server;
editing this copy changes nothing except your own understanding.
"""

import jax, jax.numpy as jnp
import numpy as np

DIM = 4096
BATCH = 16384

def setup_inputs(seed: int = 0) -> dict:
    key = jax.random.key(seed)
    kx, kp = jax.random.split(key)
    x = jax.random.normal(kx, (BATCH, DIM), dtype=jnp.float32)
    perm = jax.random.permutation(kp, DIM).astype(jnp.int64)
    return {"x": x, "perm": perm}

def reference(x, perm):
    # x[:, self.perm]
    return jnp.take(x, perm, axis=1)

if __name__ == "__main__":
    import jax
    _d = setup_inputs()
    print(jax.jit(kernel)(*tuple(_d.values())))

</pallas_src>

<mosaic_0001>
#map = affine_map<(d0, d1) -> (0)>
module attributes {stable_mosaic.version = 14 : i64} {
  func.func @_sc_body(%arg0: i32, %arg1: i32, %arg2: memref<67108864xf32, #tpu.memory_space<hbm>>, %arg3: memref<4096xi32, #tpu.memory_space<hbm>>, %arg4: memref<67108864xf32, #tpu.memory_space<hbm>>, %arg5: memref<4096xi32, #tpu.memory_space<vmem>>, %arg6: memref<65536xf32, #tpu.memory_space<vmem>>, %arg7: memref<65536xf32, #tpu.memory_space<vmem>>, %arg8: memref<!tpu.dma_semaphore, #tpu.memory_space<semaphore_mem>>, %arg9: memref<!tpu.dma_semaphore, #tpu.memory_space<semaphore_mem>>, %arg10: memref<!tpu.dma_semaphore, #tpu.memory_space<semaphore_mem>>, %arg11: memref<!tpu.dma_semaphore, #tpu.memory_space<semaphore_mem>>, %arg12: memref<!tpu.dma_semaphore, #tpu.memory_space<semaphore_mem>>, %arg13: memref<!tpu.dma_semaphore, #tpu.memory_space<semaphore_mem>>, %arg14: memref<!tpu.dma_semaphore, #tpu.memory_space<semaphore_mem>>, %arg15: memref<!tpu.dma_semaphore, #tpu.memory_space<semaphore_mem>>) attributes {dimension_semantics = [#tpu.dimension_semantics<core_parallel>, #tpu.dimension_semantics<subcore_parallel>], iteration_bounds = array<i64: 2, 16>, scalar_prefetch = 0 : i64, scratch_operands = 11 : i64, tpu.core_type = #tpu.core_type<sc_vector_subcore>, window_params = [{transform_indices = #map}, {transform_indices = #map}, {transform_indices = #map}]} {
    %mul3A = arith.constant 2 : i32
    %mul3A_0 = arith.muli %arg1, %mul3A : i32
    %add3A = arith.addi %mul3A_0, %arg0 : i32
    %mul3A_1 = arith.constant 2097152 : i32
    %mul3A_2 = arith.muli %add3A, %mul3A_1 : i32
    "tpu.region"() ({
      %run_scoped3A = tpu.sem_alloc : memref<!tpu.dma_semaphore, #tpu.memory_space<semaphore_mem>>
      tpu.enqueue_dma source(%arg3 : memref<4096xi32, #tpu.memory_space<hbm>>) target(%arg5 : memref<4096xi32, #tpu.memory_space<vmem>>) target_semaphore(%run_scoped3A : memref<!tpu.dma_semaphore, #tpu.memory_space<semaphore_mem>>)
      tpu.wait_dma2 semaphore(%run_scoped3A : memref<!tpu.dma_semaphore, #tpu.memory_space<semaphore_mem>>) src(%arg3 : memref<4096xi32, #tpu.memory_space<hbm>>) dst(%arg5 : memref<4096xi32, #tpu.memory_space<vmem>>)
      tpu.yield
    }) : () -> ()
    %add3A_3 = arith.constant 0 : i32
    %add3A_4 = arith.addi %mul3A_2, %add3A_3 : i32
    %dma_start3A = arith.constant 0 : i32
    %dma_start3A_5 = tpu.memref_slice %arg6[%dma_start3A] : memref<65536xf32, #tpu.memory_space<vmem>> -> memref<16384xf32, #tpu.memory_space<vmem>>
    %dma_start3A_6 = tpu.memref_slice %arg2[%add3A_4] : memref<67108864xf32, #tpu.memory_space<hbm>> -> memref<16384xf32, #tpu.memory_space<hbm>>
    %dma_start3A_7 = arith.constant 0 : i32
    %dma_start3A_8 = tpu.memref_slice %arg6[%dma_start3A_7] : memref<65536xf32, #tpu.memory_space<vmem>> -> memref<16384xf32, #tpu.memory_space<vmem>>
    %dma_start3A_9 = tpu.memref_slice %arg2[%add3A_4] : memref<67108864xf32, #tpu.memory_space<hbm>> -> memref<16384xf32, #tpu.memory_space<hbm>>
    tpu.enqueue_dma source(%dma_start3A_9 : memref<16384xf32, #tpu.memory_space<hbm>>) target(%dma_start3A_8 : memref<16384xf32, #tpu.memory_space<vmem>>) target_semaphore(%arg8 : memref<!tpu.dma_semaphore, #tpu.memory_space<semaphore_mem>>)
    %add3A_10 = arith.constant 16384 : i32
    %add3A_11 = arith.addi %mul3A_2, %add3A_10 : i32
    %dma_start3A_12 = arith.constant 16384 : i32
    %dma_start3A_13 = tpu.memref_slice %arg6[%dma_start3A_12] : memref<65536xf32, #tpu.memory_space<vmem>> -> memref<16384xf32, #tpu.memory_space<vmem>>
    %dma_start3A_14 = tpu.memref_slice %arg2[%add3A_11] : memref<67108864xf32, #tpu.memory_space<hbm>> -> memref<16384xf32, #tpu.memory_space<hbm>>
    %dma_start3A_15 = arith.constant 16384 : i32
    %dma_start3A_16 = tpu.memref_slice %arg6[%dma_start3A_15] : memref<65536xf32, #tpu.memory_space<vmem>> -> memref<16384xf32, #tpu.memory_space<vmem>>
    %dma_start3A_17 = tpu.memref_slice %arg2[%add3A_11] : memref<67108864xf32, #tpu.memory_space<hbm>> -> memref<16384xf32, #tpu.memory_space<hbm>>
    tpu.enqueue_dma source(%dma_start3A_17 : memref<16384xf32, #tpu.memory_space<hbm>>) target(%dma_start3A_16 : memref<16384xf32, #tpu.memory_space<vmem>>) target_semaphore(%arg9 : memref<!tpu.dma_semaphore, #tpu.memory_space<semaphore_mem>>)
    %add3A_18 = arith.constant 32768 : i32
    %add3A_19 = arith.addi %mul3A_2, %add3A_18 : i32
    %dma_start3A_20 = arith.constant 32768 : i32
    %dma_start3A_21 = tpu.memref_slice %arg6[%dma_start3A_20] : memref<65536xf32, #tpu.memory_space<vmem>> -> memref<16384xf32, #tpu.memory_space<vmem>>
    %dma_start3A_22 = tpu.memref_slice %arg2[%add3A_19] : memref<67108864xf32, #tpu.memory_space<hbm>> -> memref<16384xf32, #tpu.memory_space<hbm>>
    %dma_start3A_23 = arith.constant 32768 : i32
    %dma_start3A_24 = tpu.memref_slice %arg6[%dma_start3A_23] : memref<65536xf32, #tpu.memory_space<vmem>> -> memref<16384xf32, #tpu.memory_space<vmem>>
    %dma_start3A_25 = tpu.memref_slice %arg2[%add3A_19] : memref<67108864xf32, #tpu.memory_space<hbm>> -> memref<16384xf32, #tpu.memory_space<hbm>>
    tpu.enqueue_dma source(%dma_start3A_25 : memref<16384xf32, #tpu.memory_space<hbm>>) target(%dma_start3A_24 : memref<16384xf32, #tpu.memory_space<vmem>>) target_semaphore(%arg10 : memref<!tpu.dma_semaphore, #tpu.memory_space<semaphore_mem>>)
    %add3A_26 = arith.constant 49152 : i32
    %add3A_27 = arith.addi %mul3A_2, %add3A_26 : i32
    %dma_start3A_28 = arith.constant 49152 : i32
    %dma_start3A_29 = tpu.memref_slice %arg6[%dma_start3A_28] : memref<65536xf32, #tpu.memory_space<vmem>> -> memref<16384xf32, #tpu.memory_space<vmem>>
    %dma_start3A_30 = tpu.memref_slice %arg2[%add3A_27] : memref<67108864xf32, #tpu.memory_space<hbm>> -> memref<16384xf32, #tpu.memory_space<hbm>>
    %dma_start3A_31 = arith.constant 49152 : i32
    %dma_start3A_32 = tpu.memref_slice %arg6[%dma_start3A_31] : memref<65536xf32, #tpu.memory_space<vmem>> -> memref<16384xf32, #tpu.memory_space<vmem>>
    %dma_start3A_33 = tpu.memref_slice %arg2[%add3A_27] : memref<67108864xf32, #tpu.memory_space<hbm>> -> memref<16384xf32, #tpu.memory_space<hbm>>
    tpu.enqueue_dma source(%dma_start3A_33 : memref<16384xf32, #tpu.memory_space<hbm>>) target(%dma_start3A_32 : memref<16384xf32, #tpu.memory_space<vmem>>) target_semaphore(%arg11 : memref<!tpu.dma_semaphore, #tpu.memory_space<semaphore_mem>>)
    %scan3A = arith.constant 0 : i32
    %scan3A_34 = arith.constant 0 : i32
    %scan3A_35 = arith.constant 32 : i32
    %scan3A_36 = arith.addi %scan3A_34, %scan3A_35 : i32
    %scan3A_37 = arith.constant 1 : i32
    scf.for %scan3A_62 = %scan3A_34 to %scan3A_36 step %scan3A_37  : i32 {
      %mul3A_63 = arith.constant 4 : i32
      %mul3A_64 = arith.muli %scan3A_62, %mul3A_63 : i32
      %add3A_65 = arith.constant 0 : i32
      %add3A_66 = arith.addi %mul3A_64, %add3A_65 : i32
      %mul3A_67 = arith.constant 16384 : i32
      %mul3A_68 = arith.muli %add3A_66, %mul3A_67 : i32
      %add3A_69 = arith.addi %mul3A_2, %mul3A_68 : i32
      %dma_wait3A_70 = arith.constant 0 : i32
      %dma_wait3A_71 = tpu.memref_slice %arg6[%dma_wait3A_70] : memref<65536xf32, #tpu.memory_space<vmem>> -> memref<16384xf32, #tpu.memory_space<vmem>>
      %dma_wait3A_72 = tpu.memref_slice %arg2[%add3A_69] : memref<67108864xf32, #tpu.memory_space<hbm>> -> memref<16384xf32, #tpu.memory_space<hbm>>
      %dma_wait3A_73 = arith.constant 0 : i32
      %dma_wait3A_74 = tpu.memref_slice %arg6[%dma_wait3A_73] : memref<65536xf32, #tpu.memory_space<vmem>> -> memref<16384xf32, #tpu.memory_space<vmem>>
      %dma_wait3A_75 = tpu.memref_slice %arg2[%add3A_69] : memref<67108864xf32, #tpu.memory_space<hbm>> -> memref<16384xf32, #tpu.memory_space<hbm>>
      tpu.wait_dma2 semaphore(%arg8 : memref<!tpu.dma_semaphore, #tpu.memory_space<semaphore_mem>>) src(%dma_wait3A_75 : memref<16384xf32, #tpu.memory_space<hbm>>) dst(%dma_wait3A_74 : memref<16384xf32, #tpu.memory_space<vmem>>)
      %gt3A = arith.constant 0 : i32
      %gt3A_76 = arith.cmpi sgt, %scan3A_62, %gt3A : i32
      %convert_element_type3A = arith.extui %gt3A_76 : i1 to i32
      %cond3A = arith.constant 0 : i32
      %cond3A_77 = arith.cmpi ne, %convert_element_type3A, %cond3A : i32
      scf.if %cond3A_77 {
        %dma_wait3A_183 = arith.constant 0 : i32
        %dma_wait3A_184 = tpu.memref_slice %arg7[%dma_wait3A_183] : memref<65536xf32, #tpu.memory_space<vmem>> -> memref<16384xf32, #tpu.memory_space<vmem>>
        %dma_wait3A_185 = tpu.memref_slice %arg4[%mul3A_2] : memref<67108864xf32, #tpu.memory_space<hbm>> -> memref<16384xf32, #tpu.memory_space<hbm>>
        %dma_wait3A_186 = tpu.memref_slice %arg4[%mul3A_2] : memref<67108864xf32, #tpu.memory_space<hbm>> -> memref<16384xf32, #tpu.memory_space<hbm>>
        %dma_wait3A_187 = arith.constant 0 : i32
        %dma_wait3A_188 = tpu.memref_slice %arg7[%dma_wait3A_187] : memref<65536xf32, #tpu.memory_space<vmem>> -> memref<16384xf32, #tpu.memory_space<vmem>>
        tpu.wait_dma2 semaphore(%arg12 : memref<!tpu.dma_semaphore, #tpu.memory_space<semaphore_mem>>) src(%dma_wait3A_188 : memref<16384xf32, #tpu.memory_space<vmem>>) dst(%dma_wait3A_186 : memref<16384xf32, #tpu.memory_space<hbm>>)
      } else {
      }
      %dma_start3A_78 = arith.constant 0 : i32
      %dma_start3A_79 = tpu.memref_slice %arg6[%dma_start3A_78] : memref<65536xf32, #tpu.memory_space<vmem>> -> memref<16384xf32, #tpu.memory_space<vmem>>
      %dma_start3A_80 = tpu.memref_slice %arg4[%add3A_69] : memref<67108864xf32, #tpu.memory_space<hbm>> -> memref<16384xf32, #tpu.memory_space<hbm>>
      %dma_start3A_81 = tpu.memref_slice %arg4[%add3A_69] : memref<67108864xf32, #tpu.memory_space<hbm>> -> memref<16384xf32, #tpu.memory_space<hbm>>
      %dma_start3A_82 = arith.constant 0 : i32
      %dma_start3A_83 = tpu.memref_slice %arg6[%dma_start3A_82] : memref<65536xf32, #tpu.memory_space<vmem>> -> memref<16384xf32, #tpu.memory_space<vmem>>
      tpu.enqueue_dma source(%dma_start3A_83 : memref<16384xf32, #tpu.memory_space<vmem>>) target(%dma_start3A_81 : memref<16384xf32, #tpu.memory_space<hbm>>) target_semaphore(%arg12 : memref<!tpu.dma_semaphore, #tpu.memory_space<semaphore_mem>>)
      %add3A_84 = arith.constant 4 : i32
      %add3A_85 = arith.addi %add3A_66, %add3A_84 : i32
      %lt3A = arith.constant 128 : i32
      %lt3A_86 = arith.cmpi slt, %add3A_85, %lt3A : i32
      %convert_element_type3A_87 = arith.extui %lt3A_86 : i1 to i32
      %cond3A_88 = arith.constant 0 : i32
      %cond3A_89 = arith.cmpi ne, %convert_element_type3A_87, %cond3A_88 : i32
      scf.if %cond3A_89 {
        %add3A_183 = arith.constant 65536 : i32
        %add3A_184 = arith.addi %add3A_69, %add3A_183 : i32
        %dma_start3A_185 = arith.constant 0 : i32
        %dma_start3A_186 = tpu.memref_slice %arg6[%dma_start3A_185] : memref<65536xf32, #tpu.memory_space<vmem>> -> memref<16384xf32, #tpu.memory_space<vmem>>
        %dma_start3A_187 = tpu.memref_slice %arg2[%add3A_184] : memref<67108864xf32, #tpu.memory_space<hbm>> -> memref<16384xf32, #tpu.memory_space<hbm>>
        %dma_start3A_188 = arith.constant 0 : i32
        %dma_start3A_189 = tpu.memref_slice %arg6[%dma_start3A_188] : memref<65536xf32, #tpu.memory_space<vmem>> -> memref<16384xf32, #tpu.memory_space<vmem>>
        %dma_start3A_190 = tpu.memref_slice %arg2[%add3A_184] : memref<67108864xf32, #tpu.memory_space<hbm>> -> memref<16384xf32, #tpu.memory_space<hbm>>
        tpu.enqueue_dma source(%dma_start3A_190 : memref<16384xf32, #tpu.memory_space<hbm>>) target(%dma_start3A_189 : memref<16384xf32, #tpu.memory_space<vmem>>) target_semaphore(%arg8 : memref<!tpu.dma_semaphore, #tpu.memory_space<semaphore_mem>>)
      } else {
      }
      %mul3A_90 = arith.constant 4 : i32
      %mul3A_91 = arith.muli %scan3A_62, %mul3A_90 : i32
      %add3A_92 = arith.constant 1 : i32
      %add3A_93 = arith.addi %mul3A_91, %add3A_92 : i32
      %mul3A_94 = arith.constant 16384 : i32
      %mul3A_95 = arith.muli %add3A_93, %mul3A_94 : i32
      %add3A_96 = arith.addi %mul3A_2, %mul3A_95 : i32
      %dma_wait3A_97 = arith.constant 16384 : i32
      %dma_wait3A_98 = tpu.memref_slice %arg6[%dma_wait3A_97] : memref<65536xf32, #tpu.memory_space<vmem>> -> memref<16384xf32, #tpu.memory_space<vmem>>
      %dma_wait3A_99 = tpu.memref_slice %arg2[%add3A_96] : memref<67108864xf32, #tpu.memory_space<hbm>> -> memref<16384xf32, #tpu.memory_space<hbm>>
      %dma_wait3A_100 = arith.constant 16384 : i32
      %dma_wait3A_101 = tpu.memref_slice %arg6[%dma_wait3A_100] : memref<65536xf32, #tpu.memory_space<vmem>> -> memref<16384xf32, #tpu.memory_space<vmem>>
      %dma_wait3A_102 = tpu.memref_slice %arg2[%add3A_96] : memref<67108864xf32, #tpu.memory_space<hbm>> -> memref<16384xf32, #tpu.memory_space<hbm>>
      tpu.wait_dma2 semaphore(%arg9 : memref<!tpu.dma_semaphore, #tpu.memory_space<semaphore_mem>>) src(%dma_wait3A_102 : memref<16384xf32, #tpu.memory_space<hbm>>) dst(%dma_wait3A_101 : memref<16384xf32, #tpu.memory_space<vmem>>)
      %gt3A_103 = arith.constant 0 : i32
      %gt3A_104 = arith.cmpi sgt, %scan3A_62, %gt3A_103 : i32
      %convert_element_type3A_105 = arith.extui %gt3A_104 : i1 to i32
      %cond3A_106 = arith.constant 0 : i32
      %cond3A_107 = arith.cmpi ne, %convert_element_type3A_105, %cond3A_106 : i32
      scf.if %cond3A_107 {
        %dma_wait3A_183 = arith.constant 16384 : i32
        %dma_wait3A_184 = tpu.memref_slice %arg7[%dma_wait3A_183] : memref<65536xf32, #tpu.memory_space<vmem>> -> memref<16384xf32, #tpu.memory_space<vmem>>
        %dma_wait3A_185 = tpu.memref_slice %arg4[%mul3A_2] : memref<67108864xf32, #tpu.memory_space<hbm>> -> memref<16384xf32, #tpu.memory_space<hbm>>
        %dma_wait3A_186 = tpu.memref_slice %arg4[%mul3A_2] : memref<67108864xf32, #tpu.memory_space<hbm>> -> memref<16384xf32, #tpu.memory_space<hbm>>
        %dma_wait3A_187 = arith.constant 16384 : i32
        %dma_wait3A_188 = tpu.memref_slice %arg7[%dma_wait3A_187] : memref<65536xf32, #tpu.memory_space<vmem>> -> memref<16384xf32, #tpu.memory_space<vmem>>
        tpu.wait_dma2 semaphore(%arg13 : memref<!tpu.dma_semaphore, #tpu.memory_space<semaphore_mem>>) src(%dma_wait3A_188 : memref<16384xf32, #tpu.memory_space<vmem>>) dst(%dma_wait3A_186 : memref<16384xf32, #tpu.memory_space<hbm>>)
      } else {
      }
      %dma_start3A_108 = arith.constant 16384 : i32
      %dma_start3A_109 = tpu.memref_slice %arg6[%dma_start3A_108] : memref<65536xf32, #tpu.memory_space<vmem>> -> memref<16384xf32, #tpu.memory_space<vmem>>
      %dma_start3A_110 = tpu.memref_slice %arg4[%add3A_96] : memref<67108864xf32, #tpu.memory_space<hbm>> -> memref<16384xf32, #tpu.memory_space<hbm>>
      %dma_start3A_111 = tpu.memref_slice %arg4[%add3A_96] : memref<67108864xf32, #tpu.memory_space<hbm>> -> memref<16384xf32, #tpu.memory_space<hbm>>
      %dma_start3A_112 = arith.constant 16384 : i32
      %dma_start3A_113 = tpu.memref_slice %arg6[%dma_start3A_112] : memref<65536xf32, #tpu.memory_space<vmem>> -> memref<16384xf32, #tpu.memory_space<vmem>>
      tpu.enqueue_dma source(%dma_start3A_113 : memref<16384xf32, #tpu.memory_space<vmem>>) target(%dma_start3A_111 : memref<16384xf32, #tpu.memory_space<hbm>>) target_semaphore(%arg13 : memref<!tpu.dma_semaphore, #tpu.memory_space<semaphore_mem>>)
      %add3A_114 = arith.constant 4 : i32
      %add3A_115 = arith.addi %add3A_93, %add3A_114 : i32
      %lt3A_116 = arith.constant 128 : i32
      %lt3A_117 = arith.cmpi slt, %add3A_115, %lt3A_116 : i32
      %convert_element_type3A_118 = arith.extui %lt3A_117 : i1 to i32
      %cond3A_119 = arith.constant 0 : i32
      %cond3A_120 = arith.cmpi ne, %convert_element_type3A_118, %cond3A_119 : i32
      scf.if %cond3A_120 {
        %add3A_183 = arith.constant 65536 : i32
        %add3A_184 = arith.addi %add3A_96, %add3A_183 : i32
        %dma_start3A_185 = arith.constant 16384 : i32
        %dma_start3A_186 = tpu.memref_slice %arg6[%dma_start3A_185] : memref<65536xf32, #tpu.memory_space<vmem>> -> memref<16384xf32, #tpu.memory_space<vmem>>
        %dma_start3A_187 = tpu.memref_slice %arg2[%add3A_184] : memref<67108864xf32, #tpu.memory_space<hbm>> -> memref<16384xf32, #tpu.memory_space<hbm>>
        %dma_start3A_188 = arith.constant 16384 : i32
        %dma_start3A_189 = tpu.memref_slice %arg6[%dma_start3A_188] : memref<65536xf32, #tpu.memory_space<vmem>> -> memref<16384xf32, #tpu.memory_space<vmem>>
        %dma_start3A_190 = tpu.memref_slice %arg2[%add3A_184] : memref<67108864xf32, #tpu.memory_space<hbm>> -> memref<16384xf32, #tpu.memory_space<hbm>>
        tpu.enqueue_dma source(%dma_start3A_190 : memref<16384xf32, #tpu.memory_space<hbm>>) target(%dma_start3A_189 : memref<16384xf32, #tpu.memory_space<vmem>>) target_semaphore(%arg9 : memref<!tpu.dma_semaphore, #tpu.memory_space<semaphore_mem>>)
      } else {
      }
      %mul3A_121 = arith.constant 4 : i32
      %mul3A_122 = arith.muli %scan3A_62, %mul3A_121 : i32
      %add3A_123 = arith.constant 2 : i32
      %add3A_124 = arith.addi %mul3A_122, %add3A_123 : i32
      %mul3A_125 = arith.constant 16384 : i32
      %mul3A_126 = arith.muli %add3A_124, %mul3A_125 : i32
      %add3A_127 = arith.addi %mul3A_2, %mul3A_126 : i32
      %dma_wait3A_128 = arith.constant 32768 : i32
      %dma_wait3A_129 = tpu.memref_slice %arg6[%dma_wait3A_128] : memref<65536xf32, #tpu.memory_space<vmem>> -> memref<16384xf32, #tpu.memory_space<vmem>>
      %dma_wait3A_130 = tpu.memref_slice %arg2[%add3A_127] : memref<67108864xf32, #tpu.memory_space<hbm>> -> memref<16384xf32, #tpu.memory_space<hbm>>
      %dma_wait3A_131 = arith.constant 32768 : i32
      %dma_wait3A_132 = tpu.memref_slice %arg6[%dma_wait3A_131] : memref<65536xf32, #tpu.memory_space<vmem>> -> memref<16384xf32, #tpu.memory_space<vmem>>
      %dma_wait3A_133 = tpu.memref_slice %arg2[%add3A_127] : memref<67108864xf32, #tpu.memory_space<hbm>> -> memref<16384xf32, #tpu.memory_space<hbm>>
      tpu.wait_dma2 semaphore(%arg10 : memref<!tpu.dma_semaphore, #tpu.memory_space<semaphore_mem>>) src(%dma_wait3A_133 : memref<16384xf32, #tpu.memory_space<hbm>>) dst(%dma_wait3A_132 : memref<16384xf32, #tpu.memory_space<vmem>>)
      %gt3A_134 = arith.constant 0 : i32
      %gt3A_135 = arith.cmpi sgt, %scan3A_62, %gt3A_134 : i32
      %convert_element_type3A_136 = arith.extui %gt3A_135 : i1 to i32
      %cond3A_137 = arith.constant 0 : i32
      %cond3A_138 = arith.cmpi ne, %convert_element_type3A_136, %cond3A_137 : i32
      scf.if %cond3A_138 {
        %dma_wait3A_183 = arith.constant 32768 : i32
        %dma_wait3A_184 = tpu.memref_slice %arg7[%dma_wait3A_183] : memref<65536xf32, #tpu.memory_space<vmem>> -> memref<16384xf32, #tpu.memory_space<vmem>>
        %dma_wait3A_185 = tpu.memref_slice %arg4[%mul3A_2] : memref<67108864xf32, #tpu.memory_space<hbm>> -> memref<16384xf32, #tpu.memory_space<hbm>>
        %dma_wait3A_186 = tpu.memref_slice %arg4[%mul3A_2] : memref<67108864xf32, #tpu.memory_space<hbm>> -> memref<16384xf32, #tpu.memory_space<hbm>>
        %dma_wait3A_187 = arith.constant 32768 : i32
        %dma_wait3A_188 = tpu.memref_slice %arg7[%dma_wait3A_187] : memref<65536xf32, #tpu.memory_space<vmem>> -> memref<16384xf32, #tpu.memory_space<vmem>>
        tpu.wait_dma2 semaphore(%arg14 : memref<!tpu.dma_semaphore, #tpu.memory_space<semaphore_mem>>) src(%dma_wait3A_188 : memref<16384xf32, #tpu.memory_space<vmem>>) dst(%dma_wait3A_186 : memref<16384xf32, #tpu.memory_space<hbm>>)
      } else {
      }
      %dma_start3A_139 = arith.constant 32768 : i32
      %dma_start3A_140 = tpu.memref_slice %arg6[%dma_start3A_139] : memref<65536xf32, #tpu.memory_space<vmem>> -> memref<16384xf32, #tpu.memory_space<vmem>>
      %dma_start3A_141 = tpu.memref_slice %arg4[%add3A_127] : memref<67108864xf32, #tpu.memory_space<hbm>> -> memref<16384xf32, #tpu.memory_space<hbm>>
      %dma_start3A_142 = tpu.memref_slice %arg4[%add3A_127] : memref<67108864xf32, #tpu.memory_space<hbm>> -> memref<16384xf32, #tpu.memory_space<hbm>>
      %dma_start3A_143 = arith.constant 32768 : i32
      %dma_start3A_144 = tpu.memref_slice %arg6[%dma_start3A_143] : memref<65536xf32, #tpu.memory_space<vmem>> -> memref<16384xf32, #tpu.memory_space<vmem>>
      tpu.enqueue_dma source(%dma_start3A_144 : memref<16384xf32, #tpu.memory_space<vmem>>) target(%dma_start3A_142 : memref<16384xf32, #tpu.memory_space<hbm>>) target_semaphore(%arg14 : memref<!tpu.dma_semaphore, #tpu.memory_space<semaphore_mem>>)
      %add3A_145 = arith.constant 4 : i32
      %add3A_146 = arith.addi %add3A_124, %add3A_145 : i32
      %lt3A_147 = arith.constant 128 : i32
      %lt3A_148 = arith.cmpi slt, %add3A_146, %lt3A_147 : i32
      %convert_element_type3A_149 = arith.extui %lt3A_148 : i1 to i32
      %cond3A_150 = arith.constant 0 : i32
      %cond3A_151 = arith.cmpi ne, %convert_element_type3A_149, %cond3A_150 : i32
      scf.if %cond3A_151 {
        %add3A_183 = arith.constant 65536 : i32
        %add3A_184 = arith.addi %add3A_127, %add3A_183 : i32
        %dma_start3A_185 = arith.constant 32768 : i32
        %dma_start3A_186 = tpu.memref_slice %arg6[%dma_start3A_185] : memref<65536xf32, #tpu.memory_space<vmem>> -> memref<16384xf32, #tpu.memory_space<vmem>>
        %dma_start3A_187 = tpu.memref_slice %arg2[%add3A_184] : memref<67108864xf32, #tpu.memory_space<hbm>> -> memref<16384xf32, #tpu.memory_space<hbm>>
        %dma_start3A_188 = arith.constant 32768 : i32
        %dma_start3A_189 = tpu.memref_slice %arg6[%dma_start3A_188] : memref<65536xf32, #tpu.memory_space<vmem>> -> memref<16384xf32, #tpu.memory_space<vmem>>
        %dma_start3A_190 = tpu.memref_slice %arg2[%add3A_184] : memref<67108864xf32, #tpu.memory_space<hbm>> -> memref<16384xf32, #tpu.memory_space<hbm>>
        tpu.enqueue_dma source(%dma_start3A_190 : memref<16384xf32, #tpu.memory_space<hbm>>) target(%dma_start3A_189 : memref<16384xf32, #tpu.memory_space<vmem>>) target_semaphore(%arg10 : memref<!tpu.dma_semaphore, #tpu.memory_space<semaphore_mem>>)
      } else {
      }
      %mul3A_152 = arith.constant 4 : i32
      %mul3A_153 = arith.muli %scan3A_62, %mul3A_152 : i32
      %add3A_154 = arith.constant 3 : i32
      %add3A_155 = arith.addi %mul3A_153, %add3A_154 : i32
      %mul3A_156 = arith.constant 16384 : i32
      %mul3A_157 = arith.muli %add3A_155, %mul3A_156 : i32
      %add3A_158 = arith.addi %mul3A_2, %mul3A_157 : i32
      %dma_wait3A_159 = arith.constant 49152 : i32
      %dma_wait3A_160 = tpu.memref_slice %arg6[%dma_wait3A_159] : memref<65536xf32, #tpu.memory_space<vmem>> -> memref<16384xf32, #tpu.memory_space<vmem>>
      %dma_wait3A_161 = tpu.memref_slice %arg2[%add3A_158] : memref<67108864xf32, #tpu.memory_space<hbm>> -> memref<16384xf32, #tpu.memory_space<hbm>>
      %dma_wait3A_162 = arith.constant 49152 : i32
      %dma_wait3A_163 = tpu.memref_slice %arg6[%dma_wait3A_162] : memref<65536xf32, #tpu.memory_space<vmem>> -> memref<16384xf32, #tpu.memory_space<vmem>>
      %dma_wait3A_164 = tpu.memref_slice %arg2[%add3A_158] : memref<67108864xf32, #tpu.memory_space<hbm>> -> memref<16384xf32, #tpu.memory_space<hbm>>
      tpu.wait_dma2 semaphore(%arg11 : memref<!tpu.dma_semaphore, #tpu.memory_space<semaphore_mem>>) src(%dma_wait3A_164 : memref<16384xf32, #tpu.memory_space<hbm>>) dst(%dma_wait3A_163 : memref<16384xf32, #tpu.memory_space<vmem>>)
      %gt3A_165 = arith.constant 0 : i32
      %gt3A_166 = arith.cmpi sgt, %scan3A_62, %gt3A_165 : i32
      %convert_element_type3A_167 = arith.extui %gt3A_166 : i1 to i32
      %cond3A_168 = arith.constant 0 : i32
      %cond3A_169 = arith.cmpi ne, %convert_element_type3A_167, %cond3A_168 : i32
      scf.if %cond3A_169 {
        %dma_wait3A_183 = arith.constant 49152 : i32
        %dma_wait3A_184 = tpu.memref_slice %arg7[%dma_wait3A_183] : memref<65536xf32, #tpu.memory_space<vmem>> -> memref<16384xf32, #tpu.memory_space<vmem>>
        %dma_wait3A_185 = tpu.memref_slice %arg4[%mul3A_2] : memref<67108864xf32, #tpu.memory_space<hbm>> -> memref<16384xf32, #tpu.memory_space<hbm>>
        %dma_wait3A_186 = tpu.memref_slice %arg4[%mul3A_2] : memref<67108864xf32, #tpu.memory_space<hbm>> -> memref<16384xf32, #tpu.memory_space<hbm>>
        %dma_wait3A_187 = arith.constant 49152 : i32
        %dma_wait3A_188 = tpu.memref_slice %arg7[%dma_wait3A_187] : memref<65536xf32, #tpu.memory_space<vmem>> -> memref<16384xf32, #tpu.memory_space<vmem>>
        tpu.wait_dma2 semaphore(%arg15 : memref<!tpu.dma_semaphore, #tpu.memory_space<semaphore_mem>>) src(%dma_wait3A_188 : memref<16384xf32, #tpu.memory_space<vmem>>) dst(%dma_wait3A_186 : memref<16384xf32, #tpu.memory_space<hbm>>)
      } else {
      }
      %dma_start3A_170 = arith.constant 49152 : i32
      %dma_start3A_171 = tpu.memref_slice %arg6[%dma_start3A_170] : memref<65536xf32, #tpu.memory_space<vmem>> -> memref<16384xf32, #tpu.memory_space<vmem>>
      %dma_start3A_172 = tpu.memref_slice %arg4[%add3A_158] : memref<67108864xf32, #tpu.memory_space<hbm>> -> memref<16384xf32, #tpu.memory_space<hbm>>
      %dma_start3A_173 = tpu.memref_slice %arg4[%add3A_158] : memref<67108864xf32, #tpu.memory_space<hbm>> -> memref<16384xf32, #tpu.memory_space<hbm>>
      %dma_start3A_174 = arith.constant 49152 : i32
      %dma_start3A_175 = tpu.memref_slice %arg6[%dma_start3A_174] : memref<65536xf32, #tpu.memory_space<vmem>> -> memref<16384xf32, #tpu.memory_space<vmem>>
      tpu.enqueue_dma source(%dma_start3A_175 : memref<16384xf32, #tpu.memory_space<vmem>>) target(%dma_start3A_173 : memref<16384xf32, #tpu.memory_space<hbm>>) target_semaphore(%arg15 : memref<!tpu.dma_semaphore, #tpu.memory_space<semaphore_mem>>)
      %add3A_176 = arith.constant 4 : i32
      %add3A_177 = arith.addi %add3A_155, %add3A_176 : i32
      %lt3A_178 = arith.constant 128 : i32
      %lt3A_179 = arith.cmpi slt, %add3A_177, %lt3A_178 : i32
      %convert_element_type3A_180 = arith.extui %lt3A_179 : i1 to i32
      %cond3A_181 = arith.constant 0 : i32
      %cond3A_182 = arith.cmpi ne, %convert_element_type3A_180, %cond3A_181 : i32
      scf.if %cond3A_182 {
        %add3A_183 = arith.constant 65536 : i32
        %add3A_184 = arith.addi %add3A_158, %add3A_183 : i32
        %dma_start3A_185 = arith.constant 49152 : i32
        %dma_start3A_186 = tpu.memref_slice %arg6[%dma_start3A_185] : memref<65536xf32, #tpu.memory_space<vmem>> -> memref<16384xf32, #tpu.memory_space<vmem>>
        %dma_start3A_187 = tpu.memref_slice %arg2[%add3A_184] : memref<67108864xf32, #tpu.memory_space<hbm>> -> memref<16384xf32, #tpu.memory_space<hbm>>
        %dma_start3A_188 = arith.constant 49152 : i32
        %dma_start3A_189 = tpu.memref_slice %arg6[%dma_start3A_188] : memref<65536xf32, #tpu.memory_space<vmem>> -> memref<16384xf32, #tpu.memory_space<vmem>>
        %dma_start3A_190 = tpu.memref_slice %arg2[%add3A_184] : memref<67108864xf32, #tpu.memory_space<hbm>> -> memref<16384xf32, #tpu.memory_space<hbm>>
        tpu.enqueue_dma source(%dma_start3A_190 : memref<16384xf32, #tpu.memory_space<hbm>>) target(%dma_start3A_189 : memref<16384xf32, #tpu.memory_space<vmem>>) target_semaphore(%arg11 : memref<!tpu.dma_semaphore, #tpu.memory_space<semaphore_mem>>)
      } else {
      }
    }
    %scan3A_38 = arith.constant 32 : i32
    %dma_wait3A = arith.constant 0 : i32
    %dma_wait3A_39 = tpu.memref_slice %arg7[%dma_wait3A] : memref<65536xf32, #tpu.memory_space<vmem>> -> memref<16384xf32, #tpu.memory_space<vmem>>
    %dma_wait3A_40 = tpu.memref_slice %arg4[%mul3A_2] : memref<67108864xf32, #tpu.memory_space<hbm>> -> memref<16384xf32, #tpu.memory_space<hbm>>
    %dma_wait3A_41 = tpu.memref_slice %arg4[%mul3A_2] : memref<67108864xf32, #tpu.memory_space<hbm>> -> memref<16384xf32, #tpu.memory_space<hbm>>
    %dma_wait3A_42 = arith.constant 0 : i32
    %dma_wait3A_43 = tpu.memref_slice %arg7[%dma_wait3A_42] : memref<65536xf32, #tpu.memory_space<vmem>> -> memref<16384xf32, #tpu.memory_space<vmem>>
    tpu.wait_dma2 semaphore(%arg12 : memref<!tpu.dma_semaphore, #tpu.memory_space<semaphore_mem>>) src(%dma_wait3A_43 : memref<16384xf32, #tpu.memory_space<vmem>>) dst(%dma_wait3A_41 : memref<16384xf32, #tpu.memory_space<hbm>>)
    %dma_wait3A_44 = arith.constant 16384 : i32
    %dma_wait3A_45 = tpu.memref_slice %arg7[%dma_wait3A_44] : memref<65536xf32, #tpu.memory_space<vmem>> -> memref<16384xf32, #tpu.memory_space<vmem>>
    %dma_wait3A_46 = tpu.memref_slice %arg4[%mul3A_2] : memref<67108864xf32, #tpu.memory_space<hbm>> -> memref<16384xf32, #tpu.memory_space<hbm>>
    %dma_wait3A_47 = tpu.memref_slice %arg4[%mul3A_2] : memref<67108864xf32, #tpu.memory_space<hbm>> -> memref<16384xf32, #tpu.memory_space<hbm>>
    %dma_wait3A_48 = arith.constant 16384 : i32
    %dma_wait3A_49 = tpu.memref_slice %arg7[%dma_wait3A_48] : memref<65536xf32, #tpu.memory_space<vmem>> -> memref<16384xf32, #tpu.memory_space<vmem>>
    tpu.wait_dma2 semaphore(%arg13 : memref<!tpu.dma_semaphore, #tpu.memory_space<semaphore_mem>>) src(%dma_wait3A_49 : memref<16384xf32, #tpu.memory_space<vmem>>) dst(%dma_wait3A_47 : memref<16384xf32, #tpu.memory_space<hbm>>)
    %dma_wait3A_50 = arith.constant 32768 : i32
    %dma_wait3A_51 = tpu.memref_slice %arg7[%dma_wait3A_50] : memref<65536xf32, #tpu.memory_space<vmem>> -> memref<16384xf32, #tpu.memory_space<vmem>>
    %dma_wait3A_52 = tpu.memref_slice %arg4[%mul3A_2] : memref<67108864xf32, #tpu.memory_space<hbm>> -> memref<16384xf32, #tpu.memory_space<hbm>>
    %dma_wait3A_53 = tpu.memref_slice %arg4[%mul3A_2] : memref<67108864xf32, #tpu.memory_space<hbm>> -> memref<16384xf32, #tpu.memory_space<hbm>>
    %dma_wait3A_54 = arith.constant 32768 : i32
    %dma_wait3A_55 = tpu.memref_slice %arg7[%dma_wait3A_54] : memref<65536xf32, #tpu.memory_space<vmem>> -> memref<16384xf32, #tpu.memory_space<vmem>>
    tpu.wait_dma2 semaphore(%arg14 : memref<!tpu.dma_semaphore, #tpu.memory_space<semaphore_mem>>) src(%dma_wait3A_55 : memref<16384xf32, #tpu.memory_space<vmem>>) dst(%dma_wait3A_53 : memref<16384xf32, #tpu.memory_space<hbm>>)
    %dma_wait3A_56 = arith.constant 49152 : i32
    %dma_wait3A_57 = tpu.memref_slice %arg7[%dma_wait3A_56] : memref<65536xf32, #tpu.memory_space<vmem>> -> memref<16384xf32, #tpu.memory_space<vmem>>
    %dma_wait3A_58 = tpu.memref_slice %arg4[%mul3A_2] : memref<67108864xf32, #tpu.memory_space<hbm>> -> memref<16384xf32, #tpu.memory_space<hbm>>
    %dma_wait3A_59 = tpu.memref_slice %arg4[%mul3A_2] : memref<67108864xf32, #tpu.memory_space<hbm>> -> memref<16384xf32, #tpu.memory_space<hbm>>
    %dma_wait3A_60 = arith.constant 49152 : i32
    %dma_wait3A_61 = tpu.memref_slice %arg7[%dma_wait3A_60] : memref<65536xf32, #tpu.memory_space<vmem>> -> memref<16384xf32, #tpu.memory_space<vmem>>
    tpu.wait_dma2 semaphore(%arg15 : memref<!tpu.dma_semaphore, #tpu.memory_space<semaphore_mem>>) src(%dma_wait3A_61 : memref<16384xf32, #tpu.memory_space<vmem>>) dst(%dma_wait3A_59 : memref<16384xf32, #tpu.memory_space<hbm>>)
    return
  }
}

</mosaic_0001>

<sc_bundles>
// kernel: _sc_permute.3.cloned.1.call-start
scs
__scs_entry_jumppad:
0x0: {  	(pc) =	sbr.rel $0x88, $3  }
0x1: {  	(tag) =	ssettag $0x0;
	lr =	simm.s32 $0x1  }
0x2: {  	[smem:$0x3F9F] =	sst lr;
	_ =	strace $0xD0000000  }
0x3: {  	_ = 	snop  }
0x4: {  	_ = 	snop  }
0x5: {  	_ = 	snop  }
0x6: {  	_ = 	snop  }
0x7: {  	_ = 	snop  }
__scs_overlays_trampoline_lowered:
0x8: {  	[smem:$0x3FAE] =	sst s0  }
0x9: {  	[smem:$0x3FAF] =	sst s1  }
0xa: {  	[smem:$0x3FB0] =	sst s2  }
0xb: {  	[smem:$0x3FB1] =	sst s3  }
0xc: {  	[smem:$0x3FB2] =	sst s4  }
0xd: {  	[smem:$0x3FB3] =	sst s5  }
0xe: {  	[smem:$0x3FB4] =	sst s6  }
0xf: {  	[smem:$0x3FB5] =	sst s7  }
0x10: {  	[smem:$0x3FB6] =	sst s8  }
0x11: {  	[smem:$0x3FB7] =	sst s9;
	s0 =	simm.s32 @!p0 $0x0  }
0x12: {  	s1 =	sld [smem:$0x3F9D];
	s0 =	simm.s32 @p0 $0x1  }
0x13: {  	[smem:$0x3FB8] =	sst s0;
	s0 =	simm.s32 @!p1 $0x0  }
0x14: {  	s2 =	sld [smem:$0x3F9C];
	s0 =	simm.s32 @p1 $0x1  }
0x15: {  	[smem:$0x3FB9] =	sst s0;
	s0 =	simm.s32 @!p2 $0x0  }
0x16: {  	s3 =	sld [smem:$0x3FDB];
	s0 =	simm.s32 @p2 $0x1  }
0x17: {  	s4 =	simm.s32 $0x1BF5;
	[smem:$0x3FBB] =	sst s0  }
0x18: {  	s0 =	sld [smem:$0x3F9E];
	_ =	swait.ge [sflag:s4], $0x0  }
0x19: {  	s7 =	sld [smem:$0x3F9F]  }
0x1a: {  	s8 =	sadd.s32 $0xFFFFE003, lr  }
0x1b: {  	s9 =	sadd.s32 $0xFFFFFEF7, lr;
	s5 =	simm.s32 $0xFFFFFFFF;
	p2 =	slt.u32 s8, $0xFFFFF086  }
0x1c: {  	p1 =	slt.u32 s9, $0xF7A;
	s5 =	simm.s32 @!p2 $0x0  }
0x1d: {  	s5 =	simm.s32 @p1 $0x1;
	p0 =	seq.s32 s7, s2  }
0x1e: {  	s7 =	smul.u32 @!p0 $0xF7A, s2;
	p2 =	seq.s32 @!p0 s5, $0x0  }
0x1f: {  	s9 =	smul.u32 $0xF7A, s1;
	s8 =	simm.s32 @!p0 $0x1BF5;
	p2 =	por !p2, p0  }
0x20: {  	[sflag:s8] =	ssyncset.s32 @!p0 $0xFFFFF086;
	s6 =	sadd.s32 @!p0 s3, s7;
	s7 =	simm.s32 @!p0 $0x108  }
0x21: {  	s3 =	sadd.s32 s3, s9;
	s6 =	sadd.s32 @!p0 $0x88, s6;
	s7 =	simm.s32 @p2 $0x1082  }
0x22: {  	[simem:s7], [sflag:s8] =	dma.local @!p0 [hbm:s6], $0xF7A  }
0x23: {  	s9 =	sor.u32 $0xD0000000, s2;
	s6 =	simm.s32 $0x108;
	_ =	swait.ge @!p0 [sflag:s8], $0x0  }
0x24: {  	s3 =	sadd.s32 $0x88, s3;
	s6 =	simm.s32 @!p1 $0x1082;
	[sflag:s4] =	ssyncset.s32 $0xFFFFF086  }
0x25: {  	[simem:s6], [sflag:s4] =	dma.local [hbm:s3], $0xF7A  }
0x26: {  	[smem:$0x3F9F] =	sst s1;
	(tag) =	ssettag s2;
	_ =	strace s9  }
0x27: {  	s1 =	sld [smem:$0x3FAF]  }
0x28: {  	s2 =	sld [smem:$0x3FB0]  }
0x29: {  	s4 =	sld [smem:$0x3FB2]  }
0x2a: {  	p0 =	seq.s32 s5, $0x0;
	s5 =	sld [smem:$0x3FB3]  }
0x2b: {  	s6 =	sld [smem:$0x3FB4]  }
0x2c: {  	s7 =	sld [smem:$0x3FB5]  }
0x2d: {  	s3 =	simm.s32 $0x108;
	s8 =	sld [smem:$0x3FB6]  }
0x2e: {  	s3 =	simm.s32 @!p0 $0x1082;
	s9 =	sld [smem:$0x3FB7]  }
0x2f: {  	lr =	sadd.s32 s0, s3;
	s0 =	sld [smem:$0x3FAE]  }
0x30: {  	s3 =	sld [smem:$0x3FB1]  }
0x31: {  	[smem:$0x3FBA] =	sst s10  }
0x32: {  	s10 =	sld [smem:$0x3FB8];
	_ =	sdelay $0x3  }
0x33: {  	p0 =	seq.s32 s10, $0x1;
	s10 =	sld [smem:$0x3FBA];
	_ =	sdelay $0x3  }
0x34: {  	[smem:$0x3FBA] =	sst s10  }
0x35: {  	s10 =	sld [smem:$0x3FB9];
	_ =	sdelay $0x3  }
0x36: {  	p1 =	seq.s32 s10, $0x1;
	s10 =	sld [smem:$0x3FBA];
	_ =	sdelay $0x3  }
0x37: {  	[smem:$0x3FBA] =	sst s10  }
0x38: {  	s10 =	sld [smem:$0x3FBB]  }
0x39: {  	_ = 	snop;
	(pc) =	sbr.ind lr, $3  }
0x3a: {  	_ = 	snop  }
0x3b: {  	_ = 	snop  }
0x3c: {  	p2 =	seq.s32 s10, $0x1;
	s10 =	sld [smem:$0x3FBA]  }
0x3d: {  	_ =	shalt  }
0x3e: {  	_ =	shalt  }
0x3f: {  	_ =	shalt  }
0x40: {  	_ =	shalt  }
0x41: {  	_ =	shalt  }
0x42: {  	_ =	shalt  }
0x43: {  	_ =	shalt  }
0x44: {  	_ =	shalt  }
0x45: {  	_ =	shalt  }
0x46: {  	_ =	shalt  }
0x47: {  	_ =	shalt  }
0x48: {  	_ =	shalt  }
0x49: {  	_ =	shalt  }
0x4a: {  	_ =	shalt  }
0x4b: {  	_ =	shalt  }
0x4c: {  	_ =	shalt  }
0x4d: {  	_ =	shalt  }
0x4e: {  	_ =	shalt  }
0x4f: {  	_ =	shalt  }
0x50: {  	_ =	shalt  }
0x51: {  	_ =	shalt  }
0x52: {  	_ =	shalt  }
0x53: {  	_ =	shalt  }
0x54: {  	_ =	shalt  }
0x55: {  	_ =	shalt  }
0x56: {  	_ =	shalt  }
0x57: {  	_ =	shalt  }
0x58: {  	_ =	shalt  }
0x59: {  	_ =	shalt  }
0x5a: {  	_ =	shalt  }
0x5b: {  	_ =	shalt  }
0x5c: {  	_ =	shalt  }
0x5d: {  	_ =	shalt  }
0x5e: {  	_ =	shalt  }
0x5f: {  	_ =	shalt  }
0x60: {  	_ =	shalt  }
0x61: {  	_ =	shalt  }
0x62: {  	_ =	shalt  }
0x63: {  	_ =	shalt  }
0x64: {  	_ =	shalt  }
0x65: {  	_ =	shalt  }
0x66: {  	_ =	shalt  }
0x67: {  	_ =	shalt  }
0x68: {  	_ =	shalt  }
0x69: {  	_ =	shalt  }
0x6a: {  	_ =	shalt  }
0x6b: {  	_ =	shalt  }
0x6c: {  	_ =	shalt  }
0x6d: {  	_ =	shalt  }
0x6e: {  	_ =	shalt  }
0x6f: {  	_ =	shalt  }
0x70: {  	_ =	shalt  }
0x71: {  	_ =	shalt  }
0x72: {  	_ =	shalt  }
0x73: {  	_ =	shalt  }
0x74: {  	_ =	shalt  }
0x75: {  	_ =	shalt  }
0x76: {  	_ =	shalt  }
0x77: {  	_ =	shalt  }
0x78: {  	_ =	shalt  }
0x79: {  	_ =	shalt  }
0x7a: {  	_ =	shalt  }
0x7b: {  	_ =	shalt  }
0x7c: {  	_ =	shalt  }
0x7d: {  	_ =	shalt  }
0x7e: {  	_ =	shalt  }
0x7f: {  	_ =	shalt  }
0x80: {  	_ =	shalt  }
0x81: {  	_ =	shalt  }
0x82: {  	_ =	shalt  }
0x83: {  	_ =	shalt  }
0x84: {  	_ =	shalt  }
0x85: {  	_ =	shalt  }
0x86: {  	_ =	shalt  }
0x87: {  	_ =	shalt  }
.Lfunc_end0:
.L_simem_size_0:
called_computation.1_lowered:
.L_overlay_start_0:
0x88: {  	s2 =	sld [smem:$0x3FD9]  }
0x89: {  	s3 =	sld [smem:$0x3FFE];
	_ =	sdelay $0x1  }
0x8a: {  	s1 =	srdreg.scid  }
0x8b: {  	s0 =	sand.u32 $0x1, s1  }
0x8c: {  	s17 =	sshll.u32 s0, $0xA;
	s2 =	sadd.s32 s3, s2  }
0x8d: {  	s2 =	sadd.s32 s2, s17  }
0x8e: {  	[smem:$0x3FC6] =	sst s2  }
0x8f: {  	_ = 	snop  }
0x90: {  	s2 =	sld [smem:$0x3FC8]  }
0x91: {  	s18 =	sld [smem:$0x3FD0];
	(tm) =	ssettm $0x1  }
0x92: {  	s4 =	sld [smem:$0x3FFB];
	_ =	sdelay $0x3  }
0x93: {  	_ =	strace s4  }
0x94: {  	s4 =	sld [smem:$0x3FFC];
	_ =	sdelay $0x3  }
0x95: {  	_ =	strace s4  }
0x96: {  	s4 =	sld [smem:$0x3FFD];
	_ =	sdelay $0x3  }
0x97: {  	_ =	strace s4  }
0x98: {  	_ =	strace $0x8FFFFFFF  }
0x99: {  	s19 =	sld [smem:$0x3FDB];
	_ =	sdelay $0x1  }
0x9a: {  	s5 =	simm.s32 $_scs_section_size  }
0x9b: {  	s6 =	simm.s32 $_size__tile_overlayer_lowered;
	s7 =	simm.s32 $_tile_overlayer_lowered  }
0x9c: {  	s22 =	simm.s32 $0x1BFF;
	s21 =	sshll.u32 s7, $0x1;
	s4 =	sadd.s32 s5, s19  }
0x9d: {  	s8 =	simm.s32 $0x0;
	s20 =	sshll.u32 s6, $0x1;
	s6 =	sadd.s32 s21, s4  }
0x9e: {  	[timem:s8], [sflag:s22] =	dma.local [hbm:s6], s20  }
0x9f: {  	_ =	swait.ge [sflag:s22], s20  }
0xa0: {  	s5 =	ssub.s32 $0x0, s20;
	[sflag:s22] =	ssyncset.done $0x0  }
0xa1: {  	[sflag:s22] =	ssyncadd.s32 s5;
	_ =	sdelay $0x1  }
0xa2: {  	s23 =	simm.s32 $0x1B8B  }
0xa3: {  	_ =	swait.ge [sflag:s23], $0x1  }
0xa4: {  	[sflag:s23] =	ssyncset.done $0x0  }
0xa5: {  	s25 =	simm.s32 $0x1B8E;
	s24 =	sld [smem:$0x3FFE];
	[sflag:s23] =	ssyncadd.s32 $0xFFFFFFFF  }
0xa6: {  	s26 =	simm.s32 $execute0_lowered;
	[smem:$0x3FD2] =	sst s25  }
0xa7: {  	s6 =	sshll.u32 s26, $0x1;
	_ =	strace $0x80000049;
	[dreg:$0x1] =	wrdreg $0xFFFFFFFF  }
0xa8: {  	s28 =	simm.s32 $_size_execute0_lowered;
	s4 =	sadd.s32 s4, s6;
	[dreg:$0x0] =	wrdreg $0x0  }
0xa9: {  	s6 =	sshll.u32 s28, $0x1;
	[dreg:$0x2] =	wrdreg s4  }
0xaa: {  	[dreg:$0x3] =	wrdreg s6  }
0xab: {  	[dreg:$0x4] =	wrdreg $0xC0  }
0xac: {  	_ =	task [dreg:s8], $0x5FFFF  }
0xad: {  	[dreg:$0x1] =	wrdreg $0xFFFFFFFF  }
0xae: {  	[dreg:$0x0] =	wrdreg $0x60  }
0xaf: {  	[dreg:$0x2] =	wrdreg s18  }
0xb0: {  	[dreg:$0x3] =	wrdreg s2  }
0xb1: {  	[dreg:$0x4] =	wrdreg s24  }
0xb2: {  	[dreg:$0x5] =	wrdreg $0x9  }
0xb3: {  	_ =	task.clear_ibuf [dreg:s8], $0x6FFFF;
	_ =	strace $0x90000049  }
0xb4: {  	s29 =	simm.s32 $0x9;
	_ =	strace $0x8000004B  }
0xb5: {  	_ =	swait.ge [sflag:s29], $0x1  }
0xb6: {  	[sflag:s29] =	ssyncadd.s32 $0xFFFFFFFF  }
0xb7: {  	_ =	strace $0x9000004B  }
0xb8: {  	_ =	sfence  }
0xb9: {  	s30 =	sld [smem:$0x0];
	_ =	sdelay $0x2  }
0xba: {  	s31 =	sshll.u32 s1, $0xD;
	s1 =	sshrl.u32 s1, $0x2  }
0xbb: {  	s3 =	sand.u32 $0x4000, s31;
	s1 =	sadd.s32 s1, s30  }
0xbc: {  	s0 =	sor.u32 s3, s0;
	s1 =	sshll.u32 s1, $0x11  }
0xbd: {  	s0 =	sor.u32 s1, s0  }
0xbe: {  	s0 =	sadd.s32 $0x8F2B, s0  }
0xbf: {  	[sflag:s0] =	ssyncadd.remote.s32 $0x1  }
0xc0: {  	_ =	sfence.sel $0xFFFF  }
0xc1: {  	[dreg:$0x0] =	wrdreg $0xFFFFFFFF;
	(pc) =	sbr.abs _section_cstart, $3  }
0xc2: {  	[dreg:$0x1] =	wrdreg $0xFFFFFFFF  }
0xc3: {  	_ =	task.clear_ibuf [dreg:s8], $0x2FFFF;
	_ =	strace $0x9FFFFFFF  }
0xc4: {  	(tm) =	ssettm $0x7FFFFFFF  }
0xc5: {  	_ =	shalt  }
tec
execute0_lowered:
.L_overlay_start_1:
0x0: {  	(tag) =	ssettag $0x1  }
0x1: {  	s12 =	rddreg [dreg:$0x0]  }
0x2: {  	s1 =	srdreg.scid;
	s2 =	rddreg [dreg:$0x1]  }
0x3: {  	s0 =	stileid.u32;
	s5 =	rddreg [dreg:$0x2];
	s3 =	simm.s32 $0x0  }
0x4: {  	s16 =	simm.s32 $0x5000;
	s17 =	simm.s32 $0x9000;
	s18 =	simm.s32 $0xD000  }
0x5: {  	s19 =	simm.s32 $0x1;
	s20 =	simm.s32 $0x2;
	s21 =	simm.s32 $0x6  }
0x6: {  	s22 =	simm.s32 $0x3;
	s23 =	simm.s32 $0x7;
	s24 =	simm.s32 $0x4  }
0x7: {  	s25 =	simm.s32 $0x8;
	s26 =	simm.s32 $0x5;
	s28 =	simm.s32 $0x0  }
0x8: {  	s4 =	sand.u32 $0x1, s1;
	s6 =	sshll.u32 s0, $0x16;
	s1 =	rddreg [dreg:$0x3]  }
0x9: {  	[smem:$0x7FF] =	sst s3;
	s7 =	sshll.u32 s4, $0x15;
	s4 =	ssub.s32 $0x2, s4  }
0xa: {  	_ =	strace $0x8000004A;
	s10 =	sor.u32 s7, s6;
	s31 =	sshrl.u32 s4, $0x1  }
0xb: {  	s6 =	sshrl.u32 s10, $0x3;
	s8 =	ssub.s32 s4, s31;
	s7 =	sor.u32 $0x1C000, s10  }
0xc: {  	s11 =	sor.u32 $0x18000, s10;
	s14 =	sor.u32 $0x14000, s10;
	s10 =	sor.u32 $0x10000, s10  }
0xd: {  	s13 =	sadd.s32 s6, s5;
	s4 =	sadd.s32 s12, s6;
	s9 =	sshrl.u32 s7, $0x3  }
.Ltmp0:
0xe: {  	s8 =	smax.u32 s8, $0x1;
	s11 =	sshrl.u32 s11, $0x3;
	(pc) =	sbr.rel .LBB2_1-.Ltmp0, $4  }
0xf: {  	s14 =	sshrl.u32 s14, $0x3;
	s15 =	sshrl.u32 s10, $0x3;
	s5 =	sadd.s32 $0x800, s4  }
0x10: {  	s6 =	sadd.s32 $0x1000, s4;
	s7 =	sadd.s32 $0x1800, s4;
	s9 =	sadd.s32 s9, s12  }
0x11: {  	s10 =	sadd.s32 s11, s12;
	s11 =	sadd.s32 s14, s12;
	s12 =	sadd.s32 s15, s12  }
0x12: {  	s13 =	sadd.s32 $0x800, s13;
	s14 =	simm.s32 $0x9;
	s15 =	simm.s32 $0x1000  }
.LBB2_16:
0x13: {  	_ =	swait.ge [sflag:s26], $0x4000  }
0x14: {  	[sflag:s26] =	ssyncset.done $0x0  }
0x15: {  	[sflag:s26] =	ssyncadd.s32 $0xFFFFC000  }
0x16: {  	_ =	swait.ge [sflag:s21], $0x4000  }
0x17: {  	[sflag:s21] =	ssyncset.done $0x0  }
0x18: {  	s28 =	sadd.s32 $0x1, s28;
	[sflag:s21] =	ssyncadd.s32 $0xFFFFC000  }
0x19: {  	p0 =	sne.s32 s28, s8;
	_ =	swait.ge [sflag:s23], $0x4000  }
.Ltmp1:
0x1a: {  	[sflag:s23] =	ssyncset.done $0x0;
	(pc) =	sbr.rel @!p0 .LBB2_17-.Ltmp1, $4  }
0x1b: {  	[sflag:s23] =	ssyncadd.s32 $0xFFFFC000  }
0x1c: {  	_ =	swait.ge [sflag:s25], $0x4000  }
0x1d: {  	[sflag:s25] =	ssyncset.done $0x0  }
0x1e: {  	[sflag:s25] =	ssyncadd.s32 $0xFFFFC000  }
.LBB2_1:
0x1f: {  	[tilespmem:s3], [sflag:$0x9] =	stream.linear.gather [hbm4b:s2+s3], $0x1000, $0x38;
	[tilespmem:$0x11000] =	vst v63  }
0x20: {  	_ =	swait.ge [sflag:s14], $0x1000  }
0x21: {  	[sflag:s14] =	ssyncset.done $0x0  }
0x22: {  	[sflag:s14] =	ssyncadd.s32 $0xFFFFF000  }
0x23: {  	[tilespmem:s15], [sflag:$0x1] =	stream.linear.gather [hbm4b:s4+s3], $0x4000, $0x38;
	[tilespmem:$0x11000] =	vst v63  }
0x24: {  	_ = 	snop  }
0x25: {  	[tilespmem:s16], [sflag:$0x2] =	stream.linear.gather [hbm4b:s5+s3], $0x4000, $0x38;
	[tilespmem:$0x11000] =	vst v63  }
0x26: {  	_ = 	snop  }
0x27: {  	[tilespmem:s17], [sflag:$0x3] =	stream.linear.gather [hbm4b:s6+s3], $0x4000, $0x38;
	[tilespmem:$0x11000] =	vst v63  }
0x28: {  	s29 =	simm.s32 $0x0  }
0x29: {  	[tilespmem:s18], [sflag:$0x4] =	stream.linear.gather [hbm4b:s7+s3], $0x4000, $0x38;
	[tilespmem:$0x11000] =	vst v63  }
.LBB2_2:
0x2a: {  	_ =	swait.ge [sflag:s19], $0x4000  }
0x2b: {  	p0 =	seq.s32 s29, $0x0;
	p1 =	sne.s32 s29, $0x3E000;
	[sflag:s19] =	ssyncset.done $0x0  }
.Ltmp2:
0x2c: {  	s30 =	simm.s32 @!p0 $0x5;
	[sflag:s19] =	ssyncadd.s32 $0xFFFFC000;
	(pc) =	sbr.rel @p1 .LBB2_4-.Ltmp2, $4  }
0x2d: {  	_ =	swait.ge @!p0 [sflag:s30], $0x4000  }
0x2e: {  	[sflag:s30] =	ssyncset.done @!p0 $0x0  }
0x2f: {  	[sflag:s30] =	ssyncadd.s32 @!p0 $0xFFFFC000;
	s30 =	sadd.s32 s29, s13  }
0x30: {  	[hbm4b:s30+s3] =	stream.linear.scatter [tilespmem:s15], [sflag:$0x5], $0x4000, $0x38;
	[tilespmem:$0x11000] =	vst v63  }
.Ltmp3:
0x31: {  	(pc) =	sbr.rel .LBB2_5-.Ltmp3, $4  }
0x32: {  	_ = 	snop  }
0x33: {  	_ =	swait.ge [sflag:s20], $0x4000  }
0x34: {  	[sflag:s20] =	ssyncset.done $0x0  }
0x35: {  	[sflag:s20] =	ssyncadd.s32 $0xFFFFC000  }
.LBB2_4:
.Ltmp4:
0x36: {  	s31 =	sadd.s32 s29, s12;
	(pc) =	sbr.rel @p0 .LBB2_6-.Ltmp4, $4  }
0x37: {  	[tilespmem:s15], [sflag:$0x1] =	stream.linear.gather [hbm4b:s31+s3], $0x4000, $0x38;
	[tilespmem:$0x11000] =	vst v63  }
0x38: {  	_ =	swait.ge [sflag:s20], $0x4000  }
0x39: {  	[sflag:s20] =	ssyncset.done $0x0  }
0x3a: {  	[sflag:s20] =	ssyncadd.s32 $0xFFFFC000  }
.LBB2_5:
0x3b: {  	_ =	swait.ge [sflag:s21], $0x4000  }
0x3c: {  	[sflag:s21] =	ssyncset.done $0x0  }
0x3d: {  	[sflag:s21] =	ssyncadd.s32 $0xFFFFC000  }
.LBB2_6:
.Ltmp5:
0x3e: {  	(pc) =	sbr.rel @p1 .LBB2_8-.Ltmp5, $3  }
0x3f: {  	_ =	sdelay $0x1  }
0x40: {  	s31 =	sadd.s32 $0x800, s30  }
0x41: {  	[hbm4b:s31+s3] =	stream.linear.scatter [tilespmem:s16], [sflag:$0x6], $0x4000, $0x38;
	[tilespmem:$0x11000] =	vst v63  }
.Ltmp6:
0x42: {  	(pc) =	sbr.rel .LBB2_9-.Ltmp6, $4  }
0x43: {  	_ = 	snop  }
0x44: {  	_ =	swait.ge [sflag:s22], $0x4000  }
0x45: {  	[sflag:s22] =	ssyncset.done $0x0  }
0x46: {  	[sflag:s22] =	ssyncadd.s32 $0xFFFFC000  }
.LBB2_8:
.Ltmp7:
0x47: {  	s31 =	sadd.s32 s29, s11;
	(pc) =	sbr.rel @p0 .LBB2_10-.Ltmp7, $4  }
0x48: {  	[tilespmem:s16], [sflag:$0x2] =	stream.linear.gather [hbm4b:s31+s3], $0x4000, $0x38;
	[tilespmem:$0x11000] =	vst v63  }
0x49: {  	_ =	swait.ge [sflag:s22], $0x4000  }
0x4a: {  	[sflag:s22] =	ssyncset.done $0x0  }
0x4b: {  	[sflag:s22] =	ssyncadd.s32 $0xFFFFC000  }
.LBB2_9:
0x4c: {  	_ =	swait.ge [sflag:s23], $0x4000  }
0x4d: {  	[sflag:s23] =	ssyncset.done $0x0  }
0x4e: {  	[sflag:s23] =	ssyncadd.s32 $0xFFFFC000  }
.LBB2_10:
.Ltmp8:
0x4f: {  	(pc) =	sbr.rel @p1 .LBB2_12-.Ltmp8, $3  }
0x50: {  	_ =	sdelay $0x1  }
0x51: {  	s31 =	sadd.s32 $0x1000, s30  }
0x52: {  	[hbm4b:s31+s3] =	stream.linear.scatter [tilespmem:s17], [sflag:$0x7], $0x4000, $0x38;
	[tilespmem:$0x11000] =	vst v63  }
.Ltmp9:
0x53: {  	(pc) =	sbr.rel .LBB2_13-.Ltmp9, $4  }
0x54: {  	_ = 	snop  }
0x55: {  	_ =	swait.ge [sflag:s24], $0x4000  }
0x56: {  	[sflag:s24] =	ssyncset.done $0x0  }
0x57: {  	[sflag:s24] =	ssyncadd.s32 $0xFFFFC000  }
.LBB2_12:
.Ltmp10:
0x58: {  	s31 =	sadd.s32 s29, s10;
	(pc) =	sbr.rel @p0 .LBB2_14-.Ltmp10, $4  }
0x59: {  	[tilespmem:s17], [sflag:$0x3] =	stream.linear.gather [hbm4b:s31+s3], $0x4000, $0x38;
	[tilespmem:$0x11000] =	vst v63  }
0x5a: {  	_ =	swait.ge [sflag:s24], $0x4000  }
0x5b: {  	[sflag:s24] =	ssyncset.done $0x0  }
0x5c: {  	[sflag:s24] =	ssyncadd.s32 $0xFFFFC000  }
.LBB2_13:
0x5d: {  	_ =	swait.ge [sflag:s25], $0x4000  }
0x5e: {  	[sflag:s25] =	ssyncset.done $0x0  }
0x5f: {  	[sflag:s25] =	ssyncadd.s32 $0xFFFFC000  }
.LBB2_14:
0x60: {  	p0 =	seq.s32 s29, $0x3E000  }
.Ltmp11:
0x61: {  	_ = 	snop;
	(pc) =	sbr.rel @p0 .LBB2_16-.Ltmp11, $3  }
0x62: {  	_ =	sdelay $0x1  }
0x63: {  	s30 =	sadd.s32 $0x1800, s30  }
0x64: {  	[hbm4b:s30+s3] =	stream.linear.scatter [tilespmem:s18], [sflag:$0x8], $0x4000, $0x38;
	[tilespmem:$0x11000] =	vst v63  }
.Ltmp12:
0x65: {  	(pc) =	sbr.rel .LBB2_2-.Ltmp12, $3  }
0x66: {  	_ =	sdelay $0x1  }
0x67: {  	s30 =	sadd.s32 s29, s9;
	s29 =	sadd.s32 $0x2000, s29  }
0x68: {  	[tilespmem:s18], [sflag:$0x4] =	stream.linear.gather [hbm4b:s30+s3], $0x4000, $0x38;
	[tilespmem:$0x11000] =	vst v63  }
.LBB2_17:
0x69: {  	_ =	sfence.sel $0x180000  }
0x6a: {  	[bflag:$0x0] =	sbarrier.arrive $0xFFFF  }
0x6b: {  	p0 =	sne.s32 s0, $0x0;
	_ =	strace $0x9000004A  }
0x6c: {  	s0 =	sadd.s32 @!p0 $0x100000, s1;
	[bflag:$0x2] =	sbarrier.arrive $0xFFFF  }
0x6d: {  	[sflag:s0] =	ssyncadd.tile.s32 @!p0 $0x1;
	_ =	shalt  }
.Lfunc_end2:
_tile_overlayer_lowered:
.L_overlay_start_2:
0x6e: {  	(tag) =	ssettag $0x2  }
0x6f: {  	s0 =	rddreg [dreg:$0x0];
	s2 =	stileid.u32  }
0x70: {  	s1 =	rddreg [dreg:$0x1];
	p0 =	sne.s32 s2, $0x0  }
0x71: {  	s3 =	rddreg [dreg:$0x2];
	[bflag:$0x3] =	sbarrier.arrive $0xFFFF;
	s2 =	simm.s32 @!p0 $0x1C09  }
0x72: {  	[timem:s3], [sflag:s2] =	dma.local @!p0 [hbm:s0], s1  }
0x73: {  	s0 =	simm.s32 @!p0 $0x9  }
0x74: {  	_ =	swait.ge @!p0 [sflag:s0], s1  }
0x75: {  	s1 =	ssub.s32 @!p0 $0x0, s1;
	[sflag:s0] =	ssyncset.done @!p0 $0x0  }
0x76: {  	[sflag:s0] =	ssyncadd.s32 @!p0 s1  }
0x77: {  	[bflag:$0x3] =	sbarrier.arrive $0xFFFF  }
0x78: {  	_ =	shalt  }

// kernel: sparse-core-data-format-call.cloned.1.call-start
scs
called_computation_lowered:
.L_overlay_start_0:
0x0: {  	s2 =	sld [smem:$0x3FD9]  }
0x1: {  	s3 =	sld [smem:$0x3FFE];
	_ =	sdelay $0x1  }
0x2: {  	s1 =	srdreg.scid  }
0x3: {  	s0 =	sand.u32 $0x1, s1  }
0x4: {  	s19 =	sshll.u32 s0, $0xA;
	s2 =	sadd.s32 s3, s2  }
0x5: {  	s2 =	sadd.s32 s2, s19  }
0x6: {  	[smem:$0x3FC6] =	sst s2  }
0x7: {  	_ = 	snop  }
0x8: {  	s2 =	sld [smem:$0x3FC9]  }
0x9: {  	s20 =	sld [smem:$0x3FD0];
	(tm) =	ssettm $0x1  }
0xa: {  	s4 =	sld [smem:$0x3FFB];
	_ =	sdelay $0x3  }
0xb: {  	_ =	strace s4  }
0xc: {  	s4 =	sld [smem:$0x3FFC];
	_ =	sdelay $0x3  }
0xd: {  	_ =	strace s4  }
0xe: {  	s4 =	sld [smem:$0x3FFD];
	_ =	sdelay $0x3  }
0xf: {  	_ =	strace s4  }
0x10: {  	_ =	strace $0x8FFFFFFF  }
0x11: {  	s21 =	sld [smem:$0x3FDB];
	_ =	sdelay $0x1  }
0x12: {  	s5 =	simm.s32 $_scs_section_size  }
0x13: {  	s6 =	simm.s32 $_size__tile_overlayer_lowered;
	s7 =	simm.s32 $_tile_overlayer_lowered  }
0x14: {  	s24 =	simm.s32 $0x1BFF;
	s23 =	sshll.u32 s7, $0x1;
	s4 =	sadd.s32 s5, s21  }
0x15: {  	s8 =	simm.s32 $0x0;
	s22 =	sshll.u32 s6, $0x1;
	s6 =	sadd.s32 s23, s4  }
0x16: {  	[timem:s8], [sflag:s24] =	dma.local [hbm:s6], s22  }
0x17: {  	_ =	swait.ge [sflag:s24], s22  }
0x18: {  	s5 =	ssub.s32 $0x0, s22;
	[sflag:s24] =	ssyncset.done $0x0  }
0x19: {  	[sflag:s24] =	ssyncadd.s32 s5;
	_ =	sdelay $0x1  }
0x1a: {  	s25 =	simm.s32 $0x1B8B  }
0x1b: {  	_ =	swait.ge [sflag:s25], $0x1  }
0x1c: {  	[sflag:s25] =	ssyncset.done $0x0  }
0x1d: {  	s26 =	simm.s32 $0x1B8E;
	[sflag:s25] =	ssyncadd.s32 $0xFFFFFFFF  }
0x1e: {  	s27 =	simm.s32 $execute0_lowered;
	[smem:$0x3FD2] =	sst s26  }
0x1f: {  	s5 =	sshll.u32 s27, $0x1;
	_ =	strace $0x80000046;
	[dreg:$0x1] =	wrdreg $0xFFFFFFFF  }
0x20: {  	s28 =	simm.s32 $_size_execute0_lowered;
	s4 =	sadd.s32 s4, s5;
	[dreg:$0x0] =	wrdreg $0x0  }
0x21: {  	s5 =	sshll.u32 s28, $0x1;
	[dreg:$0x2] =	wrdreg s4  }
0x22: {  	[dreg:$0x3] =	wrdreg s5  }
0x23: {  	[dreg:$0x4] =	wrdreg $0xC0  }
0x24: {  	_ =	task [dreg:s8], $0x5FFFF  }
0x25: {  	[dreg:$0x1] =	wrdreg $0xFFFFFFFF  }
0x26: {  	[dreg:$0x0] =	wrdreg $0x60  }
0x27: {  	[dreg:$0x2] =	wrdreg s2  }
0x28: {  	[dreg:$0x3] =	wrdreg s20  }
0x29: {  	[dreg:$0x4] =	wrdreg $0x9  }
0x2a: {  	_ =	task.clear_ibuf [dreg:s8], $0x5FFFF;
	_ =	strace $0x90000046  }
0x2b: {  	s29 =	simm.s32 $0x9;
	_ =	strace $0x80000048  }
0x2c: {  	_ =	swait.ge [sflag:s29], $0x1  }
0x2d: {  	[sflag:s29] =	ssyncadd.s32 $0xFFFFFFFF  }
0x2e: {  	_ =	strace $0x90000048  }
0x2f: {  	_ =	sfence  }
0x30: {  	s30 =	sld [smem:$0x0];
	_ =	sdelay $0x2  }
0x31: {  	s31 =	sshll.u32 s1, $0xD;
	s1 =	sshrl.u32 s1, $0x2  }
0x32: {  	s3 =	sand.u32 $0x4000, s31;
	s1 =	sadd.s32 s1, s30  }
0x33: {  	s0 =	sor.u32 s3, s0;
	s1 =	sshll.u32 s1, $0x11  }
0x34: {  	s0 =	sor.u32 s1, s0  }
0x35: {  	s0 =	sadd.s32 $0x8F2B, s0  }
0x36: {  	[sflag:s0] =	ssyncadd.remote.s32 $0x1  }
0x37: {  	_ =	sfence.sel $0xFFFF  }
0x38: {  	[dreg:$0x0] =	wrdreg $0xFFFFFFFF;
	(pc) =	sbr.abs _section_cstart, $3  }
0x39: {  	[dreg:$0x1] =	wrdreg $0xFFFFFFFF  }
0x3a: {  	_ =	task.clear_ibuf [dreg:s8], $0x2FFFF;
	_ =	strace $0x9FFFFFFF  }
0x3b: {  	(tm) =	ssettm $0x7FFFFFFF  }
tec
execute0_lowered:
.L_overlay_start_1:
0x0: {  	(tag) =	ssettag $0x1  }
0x1: {  	s2 =	rddreg [dreg:$0x0]  }
0x2: {  	s3 =	rddreg [dreg:$0x1]  }
0x3: {  	s0 =	rddreg [dreg:$0x2];
	_ =	strace $0x80000047  }
0x4: {  	s4 =	srdreg.scid;
	s1 =	stileid.u32;
	s6 =	simm.s32 $0x2  }
.Ltmp0:
0x5: {  	s11 =	simm.s32 $0x0;
	p0 =	por $0x0, $0x0;
	(pc) =	sbr.rel .LBB1_1-.Ltmp0, $4  }
0x6: {  	s7 =	simm.s32 $0x1000;
	s12 =	simm.s32 $0x0;
	s5 =	sshll.u32 s4, $0x4  }
0x7: {  	s9 =	simm.s32 $0x0;
	s4 =	simm.s32 $0x1;
	s5 =	sand.u32 $0x10, s5  }
0x8: {  	s8 =	simm.s32 $0x0;
	[sflag:s4] =	ssyncpa.u1 $0x0;
	s5 =	sor.u32 s1, s5  }
0x9: {  	[sflag:s6] =	ssyncpa.u1 $0x0;
	s6 =	simm.s32 $0x800;
	s10 =	smov.u32 s5  }
.LBB1_7:
0xa: {  	s13 =	sadd.s32 $0x10, s9  }
0xb: {  	s11 =	sadd.s32 $0x20, s10;
	s15 =	smov.u32 s10;
	p2 =	sgt.s32 s13, $0x1F  }
0xc: {  	p1 =	slt.u32 s8, $0x2;
	s15 =	smov.u32 @p2 s11  }
0xd: {  	s8 =	sadd.s32 $0x1, s8;
	s13 =	simm.s32 @p2 $0x0;
	p2 =	sgt.s32 s15, $0x7FF  }
0xe: {  	s15 =	smov.u32 @p2 s5;
	p2 =	sne.s32 s8, $0x82  }
.Ltmp1:
0xf: {  	_ = 	snop;
	(pc) =	sbr.rel @!p2 .LBB1_8-.Ltmp1, $4  }
0x10: {  	s14 =	simm.s32 @!p1 $0x2  }
0x11: {  	s12 =	smov.u32 s10;
	_ =	swait.ge @!p1 [sflag:s14], $0x4000  }
0x12: {  	p0 =	por !p0, !p0;
	s11 =	smov.u32 s9;
	[sflag:s14] =	ssyncset.done @!p1 $0x0  }
0x13: {  	s9 =	smov.u32 s13;
	[sflag:s14] =	ssyncadd.s32 @!p1 $0xFFFFC000;
	s10 =	smov.u32 s15  }
.LBB1_1:
0x14: {  	p1 =	sgt.u32 s8, $0x7F  }
0x15: {  	s13 =	sxor.u32 @!p1 $0xFFFFFFFF, s8;
	s14 =	sshll.u32 @!p1 s10, $0xC  }
0x16: {  	s15 =	sshll.u32 @!p1 s9, $0x7;
	s13 =	sshll.u32 @!p1 s13, $0xE;
	s14 =	sadd.s32 @!p1 s2, s14  }
0x17: {  	s13 =	sand.u32 @!p1 $0x4000, s13;
	s14 =	sadd.s32 @!p1 s15, s14;
	s15 =	simm.s32 @!p1 $0x0  }
0x18: {  	[tilespmem:s13], [sflag:$0x1] =	stream.linear.gather @!p1 [hbm4b:s14+s15], $0x4000, $0x38;
	[tilespmem:$0x10000] =	vst v63  }
0x19: {  	p1 =	seq.s32 s8, $0x0  }
0x1a: {  	p2 =	seq.s32 @!p1 s8, $0x81  }
0x1b: {  	p1 =	por p1, p2  }
.Ltmp2:
0x1c: {  	_ = 	snop;
	(pc) =	sbr.rel @p1 .LBB1_7-.Ltmp2, $1  }
0x1d: {  	_ =	sdelay $0x3  }
0x1e: {  	s13 =	simm.s32 $0x1;
	_ =	swait.ge [sflag:s4], $0x4000;
	s16 =	sshll.u32 s8, $0xE  }
0x1f: {  	s13 =	simm.s32 @!p0 $0x0;
	[sflag:s4] =	ssyncset.done $0x0;
	s31 =	sand.u32 $0x4000, s16  }
0x20: {  	s16 =	simm.s32 $0x0;
	s14 =	sshll.u32 s13, $0xE;
	[sflag:s4] =	ssyncadd.s32 $0xFFFFC000  }
0x21: {  	s13 =	sor.u32 $0x8040, s14;
	s15 =	sor.u32 $0x40, s14;
	s14 =	sor.u32 $0x8000, s31  }
.LBB1_3:
0x22: {  	v0 =	vmov s15;
	_ =	sdelay $0x3  }
0x23: {  	s18 =	simm.s32 $0x0  }
0x24: {  	v6 =	vld.idx.msk [tilespmem:v0+s18+$0x30 ss:$0x1], $0xffff  }
0x25: {  	v7 =	vld.idx.msk [tilespmem:v0+s18+$0xFFFFFFC0 ss:$0x1], $0xffff  }
0x26: {  	v5 =	vld.idx.msk [tilespmem:v0+s18+$0xFFFFFFD0 ss:$0x1], $0xffff  }
0x27: {  	v4 =	vld.idx.msk [tilespmem:v0+s18+$0xFFFFFFE0 ss:$0x1], $0xffff  }
0x28: {  	v3 =	vld.idx.msk [tilespmem:v0+s18+$0xFFFFFFF0 ss:$0x1], $0xffff  }
0x29: {  	v1 =	vld.idx.msk [tilespmem:v0+s18+$0x0 ss:$0x1], $0xffff  }
0x2a: {  	v2 =	vld.idx.msk [tilespmem:v0+s18+$0x10 ss:$0x1], $0xffff;
	[tilespmem:s13+$0x30] =	vst v6  }
0x2b: {  	s17 =	simm.s32 $0x80;
	s19 =	simm.s32 $0x400;
	[tilespmem:s13+$0xFFFFFFC0] =	vst v7;
	v6 =	vld.idx.msk [tilespmem:v0+s18+$0x20 ss:$0x1], $0xffff;
	s18 =	smov.u32 s13  }
.LBB1_4:
0x2c: {  	p1 =	sne.s32 s19, $0xE00;
	v7 =	vld.idx.msk [tilespmem:v0+s17+$0x30 ss:$0x1], $0xffff;
	[tilespmem:s18+$0xFFFFFFD0] =	vst v5  }
0x2d: {  	v8 =	vld.idx.msk [tilespmem:v0+s17+$0xFFFFFFC0 ss:$0x1], $0xffff;
	[tilespmem:s18+$0xFFFFFFE0] =	vst v4  }
0x2e: {  	v5 =	vld.idx.msk [tilespmem:v0+s17+$0xFFFFFFD0 ss:$0x1], $0xffff;
	[tilespmem:s18+$0xFFFFFFF0] =	vst v3  }
.Ltmp3:
0x2f: {  	v4 =	vld.idx.msk [tilespmem:v0+s17+$0xFFFFFFE0 ss:$0x1], $0xffff;
	[tilespmem:s18+$0x0] =	vst v1;
	(pc) =	sbr.rel @p1 .LBB1_4-.Ltmp3, $4  }
0x30: {  	v3 =	vld.idx.msk [tilespmem:v0+s17+$0xFFFFFFF0 ss:$0x1], $0xffff;
	[tilespmem:s18+$0x10] =	vst v2  }
0x31: {  	v1 =	vld.idx.msk [tilespmem:v0+s17+$0x0 ss:$0x1], $0xffff;
	[tilespmem:s18+$0x20] =	vst v6;
	s18 =	sadd.s32 $0x800, s18  }
0x32: {  	v2 =	vld.idx.msk [tilespmem:v0+s17+$0x10 ss:$0x1], $0xffff;
	[tilespmem:s18+$0x30] =	vst v7  }
0x33: {  	[tilespmem:s18+$0xFFFFFFC0] =	vst v8;
	v6 =	vld.idx.msk [tilespmem:v0+s17+$0x20 ss:$0x1], $0xffff;
	s17 =	sshra.s32 s19, $0x2;
	s19 =	sadd.s32 $0x200, s19  }
0x34: {  	_ =	sdelay $0x2  }
0x35: {  	[tilespmem:s18+$0xFFFFFFD0] =	vst v5  }
0x36: {  	v56 =	vld.idx.msk [tilespmem:v0+s17+$0x30 ss:$0x1], $0xffff;
	[tilespmem:s18+$0xFFFFFFE0] =	vst v4  }
0x37: {  	v57 =	vld.idx.msk [tilespmem:v0+s17+$0xFFFFFFC0 ss:$0x1], $0xffff;
	[tilespmem:s18+$0xFFFFFFF0] =	vst v3  }
0x38: {  	v58 =	vld.idx.msk [tilespmem:v0+s17+$0xFFFFFFD0 ss:$0x1], $0xffff;
	[tilespmem:s18+$0x0] =	vst v1  }
0x39: {  	v59 =	vld.idx.msk [tilespmem:v0+s17+$0xFFFFFFE0 ss:$0x1], $0xffff;
	[tilespmem:s18+$0x10] =	vst v2  }
0x3a: {  	v60 =	vld.idx.msk [tilespmem:v0+s17+$0xFFFFFFF0 ss:$0x1], $0xffff;
	s31 =	sadd.s32 $0x800, s18;
	[tilespmem:s18+$0x20] =	vst v6  }
0x3b: {  	v61 =	vld.idx.msk [tilespmem:v0+s17+$0x0 ss:$0x1], $0xffff;
	[tilespmem:s31+$0x30] =	vst v56  }
0x3c: {  	v62 =	vld.idx.msk [tilespmem:v0+s17+$0x10 ss:$0x1], $0xffff;
	s16 =	sadd.s32 $0x1, s16;
	[tilespmem:s31+$0xFFFFFFC0] =	vst v57  }
0x3d: {  	v63 =	vld.idx.msk [tilespmem:v0+s17+$0x20 ss:$0x1], $0xffff;
	p1 =	sne.s32 s16, $0x10;
	[tilespmem:s31+$0xFFFFFFD0] =	vst v58  }
.Ltmp4:
0x3e: {  	[tilespmem:s31+$0xFFFFFFE0] =	vst v59;
	(pc) =	sbr.rel @p1 .LBB1_3-.Ltmp4, $4  }
0x3f: {  	[tilespmem:s31+$0xFFFFFFF0] =	vst v60  }
0x40: {  	[tilespmem:s31+$0x0] =	vst v61  }
0x41: {  	[tilespmem:s31+$0x10] =	vst v62  }
0x42: {  	s13 =	sadd.s32 $0x80, s13;
	s15 =	sadd.s32 $0x400, s15;
	[tilespmem:s31+$0x20] =	vst v63  }
.Ltmp5:
0x43: {  	(pc) =	sbr.rel .LBB1_7-.Ltmp5, $4  }
0x44: {  	s12 =	sshll.u32 s12, $0xC;
	s11 =	sshll.u32 s11, $0x4  }
0x45: {  	s11 =	sand.u32 $0x1F0, s11;
	s12 =	sadd.s32 s3, s12  }
0x46: {  	s11 =	sadd.s32 s11, s12  }
0x47: {  	[hbm4b:s11+s6] =	stream.strided.scatter [tilespmem:s14], [sflag:$0x2], $0x4000, s7, s6, $0x38;
	[tilespmem:$0x10000] =	vst v63  }
.LBB1_8:
0x48: {  	_ =	sfence.sel $0x180000  }
0x49: {  	s2 =	simm.s32 $0x1;
	[bflag:$0x0] =	sbarrier.arrive $0xFFFF  }
0x4a: {  	s31 =	simm.s32 $0x2;
	[sflag:s2] =	ssyncpa.u1 $0x1  }
0x4b: {  	[sflag:s31] =	ssyncpa.u1 $0x1  }
0x4c: {  	p0 =	sne.s32 s1, $0x0;
	_ =	strace $0x90000047  }
0x4d: {  	s0 =	sadd.s32 @!p0 $0x100000, s0;
	[bflag:$0x2] =	sbarrier.arrive $0xFFFF  }
0x4e: {  	[sflag:s0] =	ssyncadd.tile.s32 @!p0 $0x1;
	_ =	shalt  }
.Lfunc_end1:
_tile_overlayer_lowered:
.L_overlay_start_2:
0x4f: {  	(tag) =	ssettag $0x2  }
0x50: {  	s0 =	rddreg [dreg:$0x0];
	s2 =	stileid.u32  }
0x51: {  	s1 =	rddreg [dreg:$0x1];
	p0 =	sne.s32 s2, $0x0  }
0x52: {  	s3 =	rddreg [dreg:$0x2];
	[bflag:$0x3] =	sbarrier.arrive $0xFFFF;
	s2 =	simm.s32 @!p0 $0x1C01  }
0x53: {  	[timem:s3], [sflag:s2] =	dma.local @!p0 [hbm:s0], s1  }
0x54: {  	s0 =	simm.s32 @!p0 $0x1  }
0x55: {  	_ =	swait.ge @!p0 [sflag:s0], s1  }
0x56: {  	s1 =	ssub.s32 @!p0 $0x0, s1;
	[sflag:s0] =	ssyncset.done @!p0 $0x0  }
0x57: {  	[sflag:s0] =	ssyncadd.s32 @!p0 s1  }
0x58: {  	[bflag:$0x3] =	sbarrier.arrive $0xFFFF  }
0x59: {  	_ =	shalt  }

</sc_bundles>
